<compile_context>
chip_gen: v7x
topology: tpu7x:2x2x1
jax: 0.10.2.dev20260603
libtpu: 0.0.44.dev20260713+nightly
codegen_flags: <defaults>
</compile_context>

<pallas_src>
import functools

import numpy as np
import jax
import jax.numpy as jnp
from jax import lax
from jax.experimental import pallas as pl
from jax.experimental.pallas import tpu as pltpu
from jax.experimental.pallas import tpu_sc as plsc

K = 64
MOMENTUM = 0.9
TOL = 1e-4
N_ITERS = 10
N = 4096
D = 128

_BF = jnp.bfloat16
_F32 = jnp.float32

_PERM = np.array([
    3963, 3377, 3489, 1482, 3862, 2808, 3665, 1096, 1034, 3321, 757, 3657,
    2193, 3968, 1294, 2673, 3116, 992, 1235, 2402, 3899, 3982, 1574, 3390,
    12, 3542, 2093, 483, 181, 2090, 3905, 4082, 3547, 3025, 3922, 2517,
    508, 1775, 2451, 1581, 2891, 3405, 424, 1484, 3879, 1226, 2634, 1911,
    1499, 3218, 2365, 1827, 2989, 278, 354, 1838, 599, 453, 896, 2478,
    171, 4029, 860, 3617], dtype=np.int32)


def _body(emb_ref, perm_ref, cout_ref, idx_ref):
    emb = emb_ref[:]
    nrm = jnp.sqrt(jnp.sum(emb * emb, axis=1, keepdims=True))
    bn_bf = (emb / jnp.maximum(nrm, 1e-12)).astype(_BF)
    b0 = emb.astype(_BF)
    r1 = emb - b0.astype(_F32)
    b1 = r1.astype(_BF)
    b2 = (r1 - b1.astype(_F32)).astype(_BF)
    ones_bf = jnp.ones((N, D), _BF)

    iota_r = lax.broadcasted_iota(jnp.int32, (K, N), 0)
    iota_c = lax.broadcasted_iota(jnp.int32, (K, N), 1)

    dn = (((1,), (0,)), ((), ()))

    def planes_dot(oh_bf):
        return (lax.dot_general(oh_bf, b0, dn, preferred_element_type=_F32)
                + lax.dot_general(oh_bf, b1, dn, preferred_element_type=_F32)
                + lax.dot_general(oh_bf, b2, dn, preferred_element_type=_F32))

    oh_init = (iota_c == perm_ref[:]).astype(_BF)
    c_init = planes_dot(oh_init)

    def cn_bf(cents):
        n = jnp.sqrt(jnp.sum(cents * cents, axis=1, keepdims=True))
        return (cents / jnp.maximum(n, 1e-12)).astype(_BF)

    def colmax_first(s):
        m = jnp.max(s, axis=0, keepdims=True)
        first = jnp.min(jnp.where(s == m, iota_r, K), axis=0, keepdims=True)
        return m, first

    def step(_, carry):
        cents, conv = carry
        sim = lax.dot_general(cn_bf(cents), bn_bf, (((1,), (1,)), ((), ())),
                              preferred_element_type=_F32)
        _, first = colmax_first(sim)
        oh_bf = (iota_r == first).astype(_BF)
        sums = planes_dot(oh_bf)
        counts = lax.dot_general(oh_bf, ones_bf, dn,
                                 preferred_element_type=_F32)[:, 0:1]
        means = sums / jnp.maximum(counts, 1.0)
        newc = jnp.where(counts > 0, means, cents)
        upd = (1.0 - MOMENTUM) * cents + MOMENTUM * newc
        diff = cents - upd
        conv_now = jnp.all(jnp.sqrt(jnp.sum(diff * diff, axis=1)) < TOL)
        cents_next = jnp.where(conv | conv_now, cents, upd)
        return cents_next, conv | conv_now

    cents, _ = lax.fori_loop(0, N_ITERS, step,
                             (c_init, jnp.array(False)))
    cout_ref[:] = cents

    sim = lax.dot_general(cn_bf(cents), bn_bf, (((1,), (1,)), ((), ())),
                          preferred_element_type=_F32)

    m1, i1 = colmax_first(sim)
    sim_ex = jnp.where(iota_r == i1, -jnp.inf, sim)
    _, i2 = colmax_first(sim_ex)
    onehot2 = (iota_r == i2).astype(_F32)

    M1 = jnp.max(sim, axis=1, keepdims=True)
    J1 = jnp.min(jnp.where(sim == M1, iota_c, N), axis=1, keepdims=True)
    simr_ex = jnp.where(iota_c == J1, -jnp.inf, sim)
    M2 = jnp.max(simr_ex, axis=1, keepdims=True)
    J2 = jnp.min(jnp.where(simr_ex == M2, iota_c, N), axis=1, keepdims=True)

    g1 = jnp.sum(onehot2 * J1.astype(_F32), axis=0, keepdims=True)
    g2 = jnp.sum(onehot2 * J2.astype(_F32), axis=0, keepdims=True)
    g1i = g1.astype(jnp.int32)
    g2i = g2.astype(jnp.int32)
    a_iota = lax.broadcasted_iota(jnp.int32, (1, N), 1)
    idx_ref[:] = jnp.where(g1i == a_iota, g2i, g1i)


_NCH = 4


def _sc_gather(table, idx):
    info = plsc.get_sparse_core_info()
    nw = info.num_cores * info.num_subcores
    b_per_w = N // nw
    bw = b_per_w // _NCH
    mesh = plsc.VectorSubcoreMesh(core_axis_name="c", subcore_axis_name="s")

    @functools.partial(
        pl.kernel, mesh=mesh,
        out_type=jax.ShapeDtypeStruct((N, D), _F32),
        scratch_types=[
            pltpu.VMEM((b_per_w,), jnp.int32),
            pltpu.VMEM((b_per_w, D), _F32),
            [pltpu.SemaphoreType.DMA] * _NCH,
            [pltpu.SemaphoreType.DMA] * _NCH,
        ],
    )
    def gather_k(table_hbm, idx_hbm, out_hbm, idx_v, rows_v, gsems, wsems):
        wid = lax.axis_index("s") * info.num_cores + lax.axis_index("c")
        base = wid * b_per_w
        pltpu.sync_copy(idx_hbm.at[pl.ds(base, b_per_w)], idx_v)
        gathers = [
            pltpu.async_copy(table_hbm.at[idx_v.at[pl.ds(c * bw, bw)]],
                             rows_v.at[pl.ds(c * bw, bw)], gsems[c])
            for c in range(_NCH)
        ]
        writes = []
        for c in range(_NCH):
            gathers[c].wait()
            writes.append(
                pltpu.async_copy(rows_v.at[pl.ds(c * bw, bw)],
                                 out_hbm.at[pl.ds(base + c * bw, bw)],
                                 wsems[c]))
        for w in writes:
            w.wait()

    return gather_k(table, idx)


def kernel(embeddings, first_batch):
    emb = embeddings
    perm2d = jnp.asarray(_PERM.reshape(K, 1))

    centroids, idx2d = pl.pallas_call(
        _body,
        out_shape=(
            jax.ShapeDtypeStruct((K, D), _F32),
            jax.ShapeDtypeStruct((1, N), jnp.int32),
        ),
    )(emb, perm2d)

    negatives = _sc_gather(emb, idx2d.reshape(N))
    return (centroids, negatives)

# --- scband reference (transcript-rebuilt; emitter-appended) ---
"""Pipeline reference for scband-neg-sampler-mini-batch-52218212384858 (READ-ONLY COPY).

The authoritative reference and input builder live on the scoring server;
editing this copy changes nothing except your own understanding.
"""

import jax, jax.numpy as jnp
import numpy as np

K = 64
MOMENTUM = 0.9
TOL = 1e-4
N_ITERS = 10


def _normalize(x):
    n = jnp.linalg.norm(x, axis=1, keepdims=True)
    return x / jnp.maximum(n, 1e-12)


def setup_inputs(seed: int = 0) -> dict:
    key = jax.random.key(seed)
    embeddings = jax.random.normal(key, (4096, 128), dtype=jnp.float32)
    return {"embeddings": embeddings, "first_batch": 1}


def _kmeans_fit(batch):
    n = batch.shape[0]
    # torch.randperm(len(batch))[:k] -> deterministic jax permutation
    perm = jax.random.permutation(jax.random.key(42), n)[:K]
    centroids = batch[perm]
    converged = jnp.array(False)
    for _ in range(N_ITERS):
        bn = _normalize(batch)
        cn = _normalize(centroids)
        sim = jnp.matmul(bn, cn.T)
        labels = jnp.argmax(sim, axis=1)
        sums = jax.ops.segment_sum(batch, labels, num_segments=K)
        counts = jax.ops.segment_sum(jnp.ones((n,), batch.dtype), labels, num_segments=K)
        means = sums / jnp.maximum(counts, 1.0)[:, None]
        # empty clusters keep their old centroid
        new_centroids = jnp.where(counts[:, None] > 0, means, centroids)
        updated = (1.0 - MOMENTUM) * centroids + MOMENTUM * new_centroids
        conv_now = jnp.all(jnp.linalg.norm(centroids - updated, axis=1) < TOL)
        # torch breaks BEFORE assigning when converged -> freeze centroids
        centroids = jnp.where(converged | conv_now, centroids, updated)
        converged = converged | conv_now
    return centroids


def _neg_picker(centroids, batch):
    bn = _normalize(batch)
    cn = _normalize(centroids)
    sim = jnp.matmul(bn, cn.T)
    _, top2 = jax.lax.top_k(sim, 2)
    neg_indices = top2[:, 1]
    negative_centroids = centroids[neg_indices]
    ncn = _normalize(negative_centroids)
    sim2 = jnp.matmul(ncn, bn.T)
    n = sim2.shape[0]
    eye = jnp.eye(n, dtype=bool)
    sim2 = jnp.where(eye, -jnp.inf, sim2)
    neg_sample_indices = jnp.argmax(sim2, axis=1)
    negative_samples = batch[neg_sample_indices]
    return negative_samples


def reference(embeddings, first_batch):
    # first_batch truthy -> kmeans.fit(embeddings, init=True)
    centroids = _kmeans_fit(embeddings)
    negatives = _neg_picker(centroids, embeddings)
    return (centroids, negatives)

if __name__ == "__main__":
    import jax
    _d = setup_inputs()
    print(jax.jit(kernel)(*tuple(_d.values())))

</pallas_src>

<mosaic_0001>
#map = affine_map<(d0, d1) -> (0, 0)>
#map1 = affine_map<(d0, d1) -> (0)>
module attributes {stable_mosaic.version = 14 : i64} {
  func.func @gather_k(%arg0: i32, %arg1: i32, %arg2: memref<4096x128xf32, #tpu.memory_space<hbm>>, %arg3: memref<4096xi32, #tpu.memory_space<hbm>>, %arg4: memref<4096x128xf32, #tpu.memory_space<hbm>>, %arg5: memref<128xi32, #tpu.memory_space<vmem>>, %arg6: memref<128x128xf32, #tpu.memory_space<vmem>>, %arg7: memref<!tpu.dma_semaphore, #tpu.memory_space<semaphore_mem>>, %arg8: memref<!tpu.dma_semaphore, #tpu.memory_space<semaphore_mem>>, %arg9: memref<!tpu.dma_semaphore, #tpu.memory_space<semaphore_mem>>, %arg10: memref<!tpu.dma_semaphore, #tpu.memory_space<semaphore_mem>>, %arg11: memref<!tpu.dma_semaphore, #tpu.memory_space<semaphore_mem>>, %arg12: memref<!tpu.dma_semaphore, #tpu.memory_space<semaphore_mem>>, %arg13: memref<!tpu.dma_semaphore, #tpu.memory_space<semaphore_mem>>, %arg14: memref<!tpu.dma_semaphore, #tpu.memory_space<semaphore_mem>>) attributes {dimension_semantics = [#tpu.dimension_semantics<core_parallel>, #tpu.dimension_semantics<subcore_parallel>], iteration_bounds = array<i64: 2, 16>, scalar_prefetch = 0 : i64, scratch_operands = 10 : i64, tpu.core_type = #tpu.core_type<sc_vector_subcore>, window_params = [{transform_indices = #map}, {transform_indices = #map1}, {transform_indices = #map}]} {
    %mul3A = arith.constant 2 : i32
    %mul3A_0 = arith.muli %arg1, %mul3A : i32
    %add3A = arith.addi %mul3A_0, %arg0 : i32
    %mul3A_1 = arith.constant 128 : i32
    %mul3A_2 = arith.muli %add3A, %mul3A_1 : i32
    "tpu.region"() ({
      %run_scoped3A = tpu.sem_alloc : memref<!tpu.dma_semaphore, #tpu.memory_space<semaphore_mem>>
      %dma_start3A_153 = tpu.memref_slice %arg3[%mul3A_2] : memref<4096xi32, #tpu.memory_space<hbm>> -> memref<128xi32, #tpu.memory_space<hbm>>
      %dma_start3A_154 = tpu.memref_slice %arg3[%mul3A_2] : memref<4096xi32, #tpu.memory_space<hbm>> -> memref<128xi32, #tpu.memory_space<hbm>>
      tpu.enqueue_dma source(%dma_start3A_154 : memref<128xi32, #tpu.memory_space<hbm>>) target(%arg5 : memref<128xi32, #tpu.memory_space<vmem>>) target_semaphore(%run_scoped3A : memref<!tpu.dma_semaphore, #tpu.memory_space<semaphore_mem>>)
      %dma_wait3A_155 = tpu.memref_slice %arg3[%mul3A_2] : memref<4096xi32, #tpu.memory_space<hbm>> -> memref<128xi32, #tpu.memory_space<hbm>>
      %dma_wait3A_156 = tpu.memref_slice %arg3[%mul3A_2] : memref<4096xi32, #tpu.memory_space<hbm>> -> memref<128xi32, #tpu.memory_space<hbm>>
      tpu.wait_dma2 semaphore(%run_scoped3A : memref<!tpu.dma_semaphore, #tpu.memory_space<semaphore_mem>>) src(%dma_wait3A_156 : memref<128xi32, #tpu.memory_space<hbm>>) dst(%arg5 : memref<128xi32, #tpu.memory_space<vmem>>)
      tpu.yield
    }) : () -> ()
    %dma_start3A = arith.constant 0 : i32
    %dma_start3A_3 = arith.constant 0 : i32
    %dma_start3A_4 = tpu.memref_slice %arg6[%dma_start3A, %dma_start3A_3] : memref<128x128xf32, #tpu.memory_space<vmem>> -> memref<32x128xf32, #tpu.memory_space<vmem>>
    %dma_start3A_5 = arith.constant 0 : i32
    %dma_start3A_6 = tpu.memref_slice %arg5[%dma_start3A_5] : memref<128xi32, #tpu.memory_space<vmem>> -> memref<32xi32, #tpu.memory_space<vmem>>
    %dma_start3A_7 = arith.constant 0 : i32
    %dma_start3A_8 = arith.constant 0 : i32
    %dma_start3A_9 = tpu.memref_slice %arg2[%dma_start3A_7, %dma_start3A_8] : memref<4096x128xf32, #tpu.memory_space<hbm>> -> memref<4096x128xf32, #tpu.memory_space<hbm>>
    tpu.enqueue_indirect_dma source(%dma_start3A_9 : memref<4096x128xf32, #tpu.memory_space<hbm>>) target(%dma_start3A_4 : memref<32x128xf32, #tpu.memory_space<vmem>>) offsets(%dma_start3A_6 : memref<32xi32, #tpu.memory_space<vmem>>) semaphore(%arg7 : memref<!tpu.dma_semaphore, #tpu.memory_space<semaphore_mem>>)
    %dma_start3A_10 = arith.constant 32 : i32
    %dma_start3A_11 = arith.constant 0 : i32
    %dma_start3A_12 = tpu.memref_slice %arg6[%dma_start3A_10, %dma_start3A_11] : memref<128x128xf32, #tpu.memory_space<vmem>> -> memref<32x128xf32, #tpu.memory_space<vmem>>
    %dma_start3A_13 = arith.constant 32 : i32
    %dma_start3A_14 = tpu.memref_slice %arg5[%dma_start3A_13] : memref<128xi32, #tpu.memory_space<vmem>> -> memref<32xi32, #tpu.memory_space<vmem>>
    %dma_start3A_15 = arith.constant 0 : i32
    %dma_start3A_16 = arith.constant 0 : i32
    %dma_start3A_17 = tpu.memref_slice %arg2[%dma_start3A_15, %dma_start3A_16] : memref<4096x128xf32, #tpu.memory_space<hbm>> -> memref<4096x128xf32, #tpu.memory_space<hbm>>
    tpu.enqueue_indirect_dma source(%dma_start3A_17 : memref<4096x128xf32, #tpu.memory_space<hbm>>) target(%dma_start3A_12 : memref<32x128xf32, #tpu.memory_space<vmem>>) offsets(%dma_start3A_14 : memref<32xi32, #tpu.memory_space<vmem>>) semaphore(%arg8 : memref<!tpu.dma_semaphore, #tpu.memory_space<semaphore_mem>>)
    %dma_start3A_18 = arith.constant 64 : i32
    %dma_start3A_19 = arith.constant 0 : i32
    %dma_start3A_20 = tpu.memref_slice %arg6[%dma_start3A_18, %dma_start3A_19] : memref<128x128xf32, #tpu.memory_space<vmem>> -> memref<32x128xf32, #tpu.memory_space<vmem>>
    %dma_start3A_21 = arith.constant 64 : i32
    %dma_start3A_22 = tpu.memref_slice %arg5[%dma_start3A_21] : memref<128xi32, #tpu.memory_space<vmem>> -> memref<32xi32, #tpu.memory_space<vmem>>
    %dma_start3A_23 = arith.constant 0 : i32
    %dma_start3A_24 = arith.constant 0 : i32
    %dma_start3A_25 = tpu.memref_slice %arg2[%dma_start3A_23, %dma_start3A_24] : memref<4096x128xf32, #tpu.memory_space<hbm>> -> memref<4096x128xf32, #tpu.memory_space<hbm>>
    tpu.enqueue_indirect_dma source(%dma_start3A_25 : memref<4096x128xf32, #tpu.memory_space<hbm>>) target(%dma_start3A_20 : memref<32x128xf32, #tpu.memory_space<vmem>>) offsets(%dma_start3A_22 : memref<32xi32, #tpu.memory_space<vmem>>) semaphore(%arg9 : memref<!tpu.dma_semaphore, #tpu.memory_space<semaphore_mem>>)
    %dma_start3A_26 = arith.constant 96 : i32
    %dma_start3A_27 = arith.constant 0 : i32
    %dma_start3A_28 = tpu.memref_slice %arg6[%dma_start3A_26, %dma_start3A_27] : memref<128x128xf32, #tpu.memory_space<vmem>> -> memref<32x128xf32, #tpu.memory_space<vmem>>
    %dma_start3A_29 = arith.constant 96 : i32
    %dma_start3A_30 = tpu.memref_slice %arg5[%dma_start3A_29] : memref<128xi32, #tpu.memory_space<vmem>> -> memref<32xi32, #tpu.memory_space<vmem>>
    %dma_start3A_31 = arith.constant 0 : i32
    %dma_start3A_32 = arith.constant 0 : i32
    %dma_start3A_33 = tpu.memref_slice %arg2[%dma_start3A_31, %dma_start3A_32] : memref<4096x128xf32, #tpu.memory_space<hbm>> -> memref<4096x128xf32, #tpu.memory_space<hbm>>
    tpu.enqueue_indirect_dma source(%dma_start3A_33 : memref<4096x128xf32, #tpu.memory_space<hbm>>) target(%dma_start3A_28 : memref<32x128xf32, #tpu.memory_space<vmem>>) offsets(%dma_start3A_30 : memref<32xi32, #tpu.memory_space<vmem>>) semaphore(%arg10 : memref<!tpu.dma_semaphore, #tpu.memory_space<semaphore_mem>>)
    %dma_wait3A = arith.constant 0 : i32
    %dma_wait3A_34 = arith.constant 0 : i32
    %dma_wait3A_35 = tpu.memref_slice %arg6[%dma_wait3A, %dma_wait3A_34] : memref<128x128xf32, #tpu.memory_space<vmem>> -> memref<32x128xf32, #tpu.memory_space<vmem>>
    %dma_wait3A_36 = arith.constant 0 : i32
    %dma_wait3A_37 = tpu.memref_slice %arg5[%dma_wait3A_36] : memref<128xi32, #tpu.memory_space<vmem>> -> memref<32xi32, #tpu.memory_space<vmem>>
    %dma_wait3A_38 = arith.constant 0 : i32
    %dma_wait3A_39 = arith.constant 0 : i32
    %dma_wait3A_40 = tpu.memref_slice %arg2[%dma_wait3A_38, %dma_wait3A_39] : memref<4096x128xf32, #tpu.memory_space<hbm>> -> memref<4096x128xf32, #tpu.memory_space<hbm>>
    tpu.wait_indirect_dma semaphore(%arg7 : memref<!tpu.dma_semaphore, #tpu.memory_space<semaphore_mem>>) src(%dma_wait3A_40 : memref<4096x128xf32, #tpu.memory_space<hbm>>) dst(%dma_wait3A_35 : memref<32x128xf32, #tpu.memory_space<vmem>>)
    %add3A_41 = arith.constant 0 : i32
    %add3A_42 = arith.addi %mul3A_2, %add3A_41 : i32
    %dma_start3A_43 = arith.constant 0 : i32
    %dma_start3A_44 = arith.constant 0 : i32
    %dma_start3A_45 = tpu.memref_slice %arg6[%dma_start3A_43, %dma_start3A_44] : memref<128x128xf32, #tpu.memory_space<vmem>> -> memref<32x128xf32, #tpu.memory_space<vmem>>
    %dma_start3A_46 = arith.constant 0 : i32
    %dma_start3A_47 = tpu.memref_slice %arg4[%add3A_42, %dma_start3A_46] : memref<4096x128xf32, #tpu.memory_space<hbm>> -> memref<32x128xf32, #tpu.memory_space<hbm>>
    %dma_start3A_48 = arith.constant 0 : i32
    %dma_start3A_49 = tpu.memref_slice %arg4[%add3A_42, %dma_start3A_48] : memref<4096x128xf32, #tpu.memory_space<hbm>> -> memref<32x128xf32, #tpu.memory_space<hbm>>
    %dma_start3A_50 = arith.constant 0 : i32
    %dma_start3A_51 = arith.constant 0 : i32
    %dma_start3A_52 = tpu.memref_slice %arg6[%dma_start3A_50, %dma_start3A_51] : memref<128x128xf32, #tpu.memory_space<vmem>> -> memref<32x128xf32, #tpu.memory_space<vmem>>
    tpu.enqueue_dma source(%dma_start3A_52 : memref<32x128xf32, #tpu.memory_space<vmem>>) target(%dma_start3A_49 : memref<32x128xf32, #tpu.memory_space<hbm>>) target_semaphore(%arg11 : memref<!tpu.dma_semaphore, #tpu.memory_space<semaphore_mem>>)
    %dma_wait3A_53 = arith.constant 32 : i32
    %dma_wait3A_54 = arith.constant 0 : i32
    %dma_wait3A_55 = tpu.memref_slice %arg6[%dma_wait3A_53, %dma_wait3A_54] : memref<128x128xf32, #tpu.memory_space<vmem>> -> memref<32x128xf32, #tpu.memory_space<vmem>>
    %dma_wait3A_56 = arith.constant 32 : i32
    %dma_wait3A_57 = tpu.memref_slice %arg5[%dma_wait3A_56] : memref<128xi32, #tpu.memory_space<vmem>> -> memref<32xi32, #tpu.memory_space<vmem>>
    %dma_wait3A_58 = arith.constant 0 : i32
    %dma_wait3A_59 = arith.constant 0 : i32
    %dma_wait3A_60 = tpu.memref_slice %arg2[%dma_wait3A_58, %dma_wait3A_59] : memref<4096x128xf32, #tpu.memory_space<hbm>> -> memref<4096x128xf32, #tpu.memory_space<hbm>>
    tpu.wait_indirect_dma semaphore(%arg8 : memref<!tpu.dma_semaphore, #tpu.memory_space<semaphore_mem>>) src(%dma_wait3A_60 : memref<4096x128xf32, #tpu.memory_space<hbm>>) dst(%dma_wait3A_55 : memref<32x128xf32, #tpu.memory_space<vmem>>)
    %add3A_61 = arith.constant 32 : i32
    %add3A_62 = arith.addi %mul3A_2, %add3A_61 : i32
    %dma_start3A_63 = arith.constant 32 : i32
    %dma_start3A_64 = arith.constant 0 : i32
    %dma_start3A_65 = tpu.memref_slice %arg6[%dma_start3A_63, %dma_start3A_64] : memref<128x128xf32, #tpu.memory_space<vmem>> -> memref<32x128xf32, #tpu.memory_space<vmem>>
    %dma_start3A_66 = arith.constant 0 : i32
    %dma_start3A_67 = tpu.memref_slice %arg4[%add3A_62, %dma_start3A_66] : memref<4096x128xf32, #tpu.memory_space<hbm>> -> memref<32x128xf32, #tpu.memory_space<hbm>>
    %dma_start3A_68 = arith.constant 0 : i32
    %dma_start3A_69 = tpu.memref_slice %arg4[%add3A_62, %dma_start3A_68] : memref<4096x128xf32, #tpu.memory_space<hbm>> -> memref<32x128xf32, #tpu.memory_space<hbm>>
    %dma_start3A_70 = arith.constant 32 : i32
    %dma_start3A_71 = arith.constant 0 : i32
    %dma_start3A_72 = tpu.memref_slice %arg6[%dma_start3A_70, %dma_start3A_71] : memref<128x128xf32, #tpu.memory_space<vmem>> -> memref<32x128xf32, #tpu.memory_space<vmem>>
    tpu.enqueue_dma source(%dma_start3A_72 : memref<32x128xf32, #tpu.memory_space<vmem>>) target(%dma_start3A_69 : memref<32x128xf32, #tpu.memory_space<hbm>>) target_semaphore(%arg12 : memref<!tpu.dma_semaphore, #tpu.memory_space<semaphore_mem>>)
    %dma_wait3A_73 = arith.constant 64 : i32
    %dma_wait3A_74 = arith.constant 0 : i32
    %dma_wait3A_75 = tpu.memref_slice %arg6[%dma_wait3A_73, %dma_wait3A_74] : memref<128x128xf32, #tpu.memory_space<vmem>> -> memref<32x128xf32, #tpu.memory_space<vmem>>
    %dma_wait3A_76 = arith.constant 64 : i32
    %dma_wait3A_77 = tpu.memref_slice %arg5[%dma_wait3A_76] : memref<128xi32, #tpu.memory_space<vmem>> -> memref<32xi32, #tpu.memory_space<vmem>>
    %dma_wait3A_78 = arith.constant 0 : i32
    %dma_wait3A_79 = arith.constant 0 : i32
    %dma_wait3A_80 = tpu.memref_slice %arg2[%dma_wait3A_78, %dma_wait3A_79] : memref<4096x128xf32, #tpu.memory_space<hbm>> -> memref<4096x128xf32, #tpu.memory_space<hbm>>
    tpu.wait_indirect_dma semaphore(%arg9 : memref<!tpu.dma_semaphore, #tpu.memory_space<semaphore_mem>>) src(%dma_wait3A_80 : memref<4096x128xf32, #tpu.memory_space<hbm>>) dst(%dma_wait3A_75 : memref<32x128xf32, #tpu.memory_space<vmem>>)
    %add3A_81 = arith.constant 64 : i32
    %add3A_82 = arith.addi %mul3A_2, %add3A_81 : i32
    %dma_start3A_83 = arith.constant 64 : i32
    %dma_start3A_84 = arith.constant 0 : i32
    %dma_start3A_85 = tpu.memref_slice %arg6[%dma_start3A_83, %dma_start3A_84] : memref<128x128xf32, #tpu.memory_space<vmem>> -> memref<32x128xf32, #tpu.memory_space<vmem>>
    %dma_start3A_86 = arith.constant 0 : i32
    %dma_start3A_87 = tpu.memref_slice %arg4[%add3A_82, %dma_start3A_86] : memref<4096x128xf32, #tpu.memory_space<hbm>> -> memref<32x128xf32, #tpu.memory_space<hbm>>
    %dma_start3A_88 = arith.constant 0 : i32
    %dma_start3A_89 = tpu.memref_slice %arg4[%add3A_82, %dma_start3A_88] : memref<4096x128xf32, #tpu.memory_space<hbm>> -> memref<32x128xf32, #tpu.memory_space<hbm>>
    %dma_start3A_90 = arith.constant 64 : i32
    %dma_start3A_91 = arith.constant 0 : i32
    %dma_start3A_92 = tpu.memref_slice %arg6[%dma_start3A_90, %dma_start3A_91] : memref<128x128xf32, #tpu.memory_space<vmem>> -> memref<32x128xf32, #tpu.memory_space<vmem>>
    tpu.enqueue_dma source(%dma_start3A_92 : memref<32x128xf32, #tpu.memory_space<vmem>>) target(%dma_start3A_89 : memref<32x128xf32, #tpu.memory_space<hbm>>) target_semaphore(%arg13 : memref<!tpu.dma_semaphore, #tpu.memory_space<semaphore_mem>>)
    %dma_wait3A_93 = arith.constant 96 : i32
    %dma_wait3A_94 = arith.constant 0 : i32
    %dma_wait3A_95 = tpu.memref_slice %arg6[%dma_wait3A_93, %dma_wait3A_94] : memref<128x128xf32, #tpu.memory_space<vmem>> -> memref<32x128xf32, #tpu.memory_space<vmem>>
    %dma_wait3A_96 = arith.constant 96 : i32
    %dma_wait3A_97 = tpu.memref_slice %arg5[%dma_wait3A_96] : memref<128xi32, #tpu.memory_space<vmem>> -> memref<32xi32, #tpu.memory_space<vmem>>
    %dma_wait3A_98 = arith.constant 0 : i32
    %dma_wait3A_99 = arith.constant 0 : i32
    %dma_wait3A_100 = tpu.memref_slice %arg2[%dma_wait3A_98, %dma_wait3A_99] : memref<4096x128xf32, #tpu.memory_space<hbm>> -> memref<4096x128xf32, #tpu.memory_space<hbm>>
    tpu.wait_indirect_dma semaphore(%arg10 : memref<!tpu.dma_semaphore, #tpu.memory_space<semaphore_mem>>) src(%dma_wait3A_100 : memref<4096x128xf32, #tpu.memory_space<hbm>>) dst(%dma_wait3A_95 : memref<32x128xf32, #tpu.memory_space<vmem>>)
    %add3A_101 = arith.constant 96 : i32
    %add3A_102 = arith.addi %mul3A_2, %add3A_101 : i32
    %dma_start3A_103 = arith.constant 96 : i32
    %dma_start3A_104 = arith.constant 0 : i32
    %dma_start3A_105 = tpu.memref_slice %arg6[%dma_start3A_103, %dma_start3A_104] : memref<128x128xf32, #tpu.memory_space<vmem>> -> memref<32x128xf32, #tpu.memory_space<vmem>>
    %dma_start3A_106 = arith.constant 0 : i32
    %dma_start3A_107 = tpu.memref_slice %arg4[%add3A_102, %dma_start3A_106] : memref<4096x128xf32, #tpu.memory_space<hbm>> -> memref<32x128xf32, #tpu.memory_space<hbm>>
    %dma_start3A_108 = arith.constant 0 : i32
    %dma_start3A_109 = tpu.memref_slice %arg4[%add3A_102, %dma_start3A_108] : memref<4096x128xf32, #tpu.memory_space<hbm>> -> memref<32x128xf32, #tpu.memory_space<hbm>>
    %dma_start3A_110 = arith.constant 96 : i32
    %dma_start3A_111 = arith.constant 0 : i32
    %dma_start3A_112 = tpu.memref_slice %arg6[%dma_start3A_110, %dma_start3A_111] : memref<128x128xf32, #tpu.memory_space<vmem>> -> memref<32x128xf32, #tpu.memory_space<vmem>>
    tpu.enqueue_dma source(%dma_start3A_112 : memref<32x128xf32, #tpu.memory_space<vmem>>) target(%dma_start3A_109 : memref<32x128xf32, #tpu.memory_space<hbm>>) target_semaphore(%arg14 : memref<!tpu.dma_semaphore, #tpu.memory_space<semaphore_mem>>)
    %dma_wait3A_113 = arith.constant 0 : i32
    %dma_wait3A_114 = arith.constant 0 : i32
    %dma_wait3A_115 = tpu.memref_slice %arg6[%dma_wait3A_113, %dma_wait3A_114] : memref<128x128xf32, #tpu.memory_space<vmem>> -> memref<32x128xf32, #tpu.memory_space<vmem>>
    %dma_wait3A_116 = arith.constant 0 : i32
    %dma_wait3A_117 = tpu.memref_slice %arg4[%add3A_42, %dma_wait3A_116] : memref<4096x128xf32, #tpu.memory_space<hbm>> -> memref<32x128xf32, #tpu.memory_space<hbm>>
    %dma_wait3A_118 = arith.constant 0 : i32
    %dma_wait3A_119 = tpu.memref_slice %arg4[%add3A_42, %dma_wait3A_118] : memref<4096x128xf32, #tpu.memory_space<hbm>> -> memref<32x128xf32, #tpu.memory_space<hbm>>
    %dma_wait3A_120 = arith.constant 0 : i32
    %dma_wait3A_121 = arith.constant 0 : i32
    %dma_wait3A_122 = tpu.memref_slice %arg6[%dma_wait3A_120, %dma_wait3A_121] : memref<128x128xf32, #tpu.memory_space<vmem>> -> memref<32x128xf32, #tpu.memory_space<vmem>>
    tpu.wait_dma2 semaphore(%arg11 : memref<!tpu.dma_semaphore, #tpu.memory_space<semaphore_mem>>) src(%dma_wait3A_122 : memref<32x128xf32, #tpu.memory_space<vmem>>) dst(%dma_wait3A_119 : memref<32x128xf32, #tpu.memory_space<hbm>>)
    %dma_wait3A_123 = arith.constant 32 : i32
    %dma_wait3A_124 = arith.constant 0 : i32
    %dma_wait3A_125 = tpu.memref_slice %arg6[%dma_wait3A_123, %dma_wait3A_124] : memref<128x128xf32, #tpu.memory_space<vmem>> -> memref<32x128xf32, #tpu.memory_space<vmem>>
    %dma_wait3A_126 = arith.constant 0 : i32
    %dma_wait3A_127 = tpu.memref_slice %arg4[%add3A_62, %dma_wait3A_126] : memref<4096x128xf32, #tpu.memory_space<hbm>> -> memref<32x128xf32, #tpu.memory_space<hbm>>
    %dma_wait3A_128 = arith.constant 0 : i32
    %dma_wait3A_129 = tpu.memref_slice %arg4[%add3A_62, %dma_wait3A_128] : memref<4096x128xf32, #tpu.memory_space<hbm>> -> memref<32x128xf32, #tpu.memory_space<hbm>>
    %dma_wait3A_130 = arith.constant 32 : i32
    %dma_wait3A_131 = arith.constant 0 : i32
    %dma_wait3A_132 = tpu.memref_slice %arg6[%dma_wait3A_130, %dma_wait3A_131] : memref<128x128xf32, #tpu.memory_space<vmem>> -> memref<32x128xf32, #tpu.memory_space<vmem>>
    tpu.wait_dma2 semaphore(%arg12 : memref<!tpu.dma_semaphore, #tpu.memory_space<semaphore_mem>>) src(%dma_wait3A_132 : memref<32x128xf32, #tpu.memory_space<vmem>>) dst(%dma_wait3A_129 : memref<32x128xf32, #tpu.memory_space<hbm>>)
    %dma_wait3A_133 = arith.constant 64 : i32
    %dma_wait3A_134 = arith.constant 0 : i32
    %dma_wait3A_135 = tpu.memref_slice %arg6[%dma_wait3A_133, %dma_wait3A_134] : memref<128x128xf32, #tpu.memory_space<vmem>> -> memref<32x128xf32, #tpu.memory_space<vmem>>
    %dma_wait3A_136 = arith.constant 0 : i32
    %dma_wait3A_137 = tpu.memref_slice %arg4[%add3A_82, %dma_wait3A_136] : memref<4096x128xf32, #tpu.memory_space<hbm>> -> memref<32x128xf32, #tpu.memory_space<hbm>>
    %dma_wait3A_138 = arith.constant 0 : i32
    %dma_wait3A_139 = tpu.memref_slice %arg4[%add3A_82, %dma_wait3A_138] : memref<4096x128xf32, #tpu.memory_space<hbm>> -> memref<32x128xf32, #tpu.memory_space<hbm>>
    %dma_wait3A_140 = arith.constant 64 : i32
    %dma_wait3A_141 = arith.constant 0 : i32
    %dma_wait3A_142 = tpu.memref_slice %arg6[%dma_wait3A_140, %dma_wait3A_141] : memref<128x128xf32, #tpu.memory_space<vmem>> -> memref<32x128xf32, #tpu.memory_space<vmem>>
    tpu.wait_dma2 semaphore(%arg13 : memref<!tpu.dma_semaphore, #tpu.memory_space<semaphore_mem>>) src(%dma_wait3A_142 : memref<32x128xf32, #tpu.memory_space<vmem>>) dst(%dma_wait3A_139 : memref<32x128xf32, #tpu.memory_space<hbm>>)
    %dma_wait3A_143 = arith.constant 96 : i32
    %dma_wait3A_144 = arith.constant 0 : i32
    %dma_wait3A_145 = tpu.memref_slice %arg6[%dma_wait3A_143, %dma_wait3A_144] : memref<128x128xf32, #tpu.memory_space<vmem>> -> memref<32x128xf32, #tpu.memory_space<vmem>>
    %dma_wait3A_146 = arith.constant 0 : i32
    %dma_wait3A_147 = tpu.memref_slice %arg4[%add3A_102, %dma_wait3A_146] : memref<4096x128xf32, #tpu.memory_space<hbm>> -> memref<32x128xf32, #tpu.memory_space<hbm>>
    %dma_wait3A_148 = arith.constant 0 : i32
    %dma_wait3A_149 = tpu.memref_slice %arg4[%add3A_102, %dma_wait3A_148] : memref<4096x128xf32, #tpu.memory_space<hbm>> -> memref<32x128xf32, #tpu.memory_space<hbm>>
    %dma_wait3A_150 = arith.constant 96 : i32
    %dma_wait3A_151 = arith.constant 0 : i32
    %dma_wait3A_152 = tpu.memref_slice %arg6[%dma_wait3A_150, %dma_wait3A_151] : memref<128x128xf32, #tpu.memory_space<vmem>> -> memref<32x128xf32, #tpu.memory_space<vmem>>
    tpu.wait_dma2 semaphore(%arg14 : memref<!tpu.dma_semaphore, #tpu.memory_space<semaphore_mem>>) src(%dma_wait3A_152 : memref<32x128xf32, #tpu.memory_space<vmem>>) dst(%dma_wait3A_149 : memref<32x128xf32, #tpu.memory_space<hbm>>)
    return
  }
}

module attributes {stable_mosaic.version = 14 : i64} {
  func.func @_body(%arg0: memref<4096x128xf32, #tpu.memory_space<vmem>>, %arg1: memref<64x1xi32, #tpu.memory_space<vmem>>, %arg2: memref<64x128xf32, #tpu.memory_space<vmem>>, %arg3: memref<1x4096xi32, #tpu.memory_space<vmem>>) attributes {dimension_semantics = [], scalar_prefetch = 0 : i64, scratch_operands = 0 : i64, tpu.core_type = #tpu.core_type<tc>} {
    %get3A = arith.constant 0 : index
    %get3A_0 = arith.constant 0 : index
    %get3A_1 = vector.load %arg0[%get3A, %get3A_0] : memref<4096x128xf32, #tpu.memory_space<vmem>>, vector<4096x128xf32>
    %mul3A = arith.mulf %get3A_1, %get3A_1 : vector<4096x128xf32>
    %reduce_sum3A = arith.constant dense<0.000000e+00> : vector<4096xf32>
    %reduce_sum3A_2 = vector.multi_reduction <add>, %mul3A, %reduce_sum3A [1] : vector<4096x128xf32> to vector<4096xf32>
    %broadcast_in_dim3A = vector.shape_cast %reduce_sum3A_2 : vector<4096xf32> to vector<4096x1xf32>
    %sqrt3A = math.sqrt %broadcast_in_dim3A : vector<4096x1xf32>
    %max3A = arith.constant 9.99999996E-13 : f32
    %max3A_3 = vector.broadcast %max3A : f32 to vector<4096x1xf32>
    %max3A_4 = arith.maximumf %sqrt3A, %max3A_3 : vector<4096x1xf32>
    %div3A = vector.broadcast %max3A_4 : vector<4096x1xf32> to vector<4096x128xf32>
    %div3A_5 = arith.divf %get3A_1, %div3A : vector<4096x128xf32>
    %convert_element_type3A = arith.truncf %div3A_5 : vector<4096x128xf32> to vector<4096x128xbf16>
    %convert_element_type3A_6 = arith.truncf %get3A_1 : vector<4096x128xf32> to vector<4096x128xbf16>
    %convert_element_type3A_7 = arith.extf %convert_element_type3A_6 : vector<4096x128xbf16> to vector<4096x128xf32>
    %sub3A = arith.subf %get3A_1, %convert_element_type3A_7 : vector<4096x128xf32>
    %convert_element_type3A_8 = arith.truncf %sub3A : vector<4096x128xf32> to vector<4096x128xbf16>
    %convert_element_type3A_9 = arith.extf %convert_element_type3A_8 : vector<4096x128xbf16> to vector<4096x128xf32>
    %sub3A_10 = arith.subf %sub3A, %convert_element_type3A_9 : vector<4096x128xf32>
    %convert_element_type3A_11 = arith.truncf %sub3A_10 : vector<4096x128xf32> to vector<4096x128xbf16>
    %broadcast_in_dim3A_12 = arith.constant 1.000000e+00 : bf16
    %broadcast_in_dim3A_13 = vector.broadcast %broadcast_in_dim3A_12 : bf16 to vector<4096x128xbf16>
    %iota3A = tpu.iota {dimensions = array<i32: 0>} : vector<64x4096xi32>
    %iota3A_14 = tpu.iota {dimensions = array<i32: 1>} : vector<64x4096xi32>
    %get3A_15 = arith.constant 0 : index
    %get3A_16 = arith.constant 0 : index
    %get3A_17 = vector.load %arg1[%get3A_15, %get3A_16] : memref<64x1xi32, #tpu.memory_space<vmem>>, vector<64x1xi32>
    %eq3A = vector.broadcast %get3A_17 : vector<64x1xi32> to vector<64x4096xi32>
    %eq3A_18 = arith.cmpi eq, %iota3A_14, %eq3A : vector<64x4096xi32>
    %convert_element_type3A_19 = arith.extui %eq3A_18 : vector<64x4096xi1> to vector<64x4096xi32>
    %convert_element_type3A_20 = arith.sitofp %convert_element_type3A_19 : vector<64x4096xi32> to vector<64x4096xf32>
    %convert_element_type3A_21 = arith.truncf %convert_element_type3A_20 : vector<64x4096xf32> to vector<64x4096xbf16>
    %dot_general3A = arith.constant dense<0.000000e+00> : vector<64x128xf32>
    %dot_general3A_22 = tpu.matmul %convert_element_type3A_21, %convert_element_type3A_6, %dot_general3A {dimension_numbers = #tpu.dot_dimension_numbers<[1], [0], [0], [1], [0, 0, 1, 1], [], []>, transpose_lhs_hint = false} : vector<64x4096xbf16>, vector<4096x128xbf16>, vector<64x128xf32> -> vector<64x128xf32>
    %dot_general3A_23 = arith.constant dense<0.000000e+00> : vector<64x128xf32>
    %dot_general3A_24 = tpu.matmul %convert_element_type3A_21, %convert_element_type3A_8, %dot_general3A_23 {dimension_numbers = #tpu.dot_dimension_numbers<[1], [0], [0], [1], [0, 0, 1, 1], [], []>, transpose_lhs_hint = false} : vector<64x4096xbf16>, vector<4096x128xbf16>, vector<64x128xf32> -> vector<64x128xf32>
    %add3A = arith.addf %dot_general3A_22, %dot_general3A_24 : vector<64x128xf32>
    %dot_general3A_25 = arith.constant dense<0.000000e+00> : vector<64x128xf32>
    %dot_general3A_26 = tpu.matmul %convert_element_type3A_21, %convert_element_type3A_11, %dot_general3A_25 {dimension_numbers = #tpu.dot_dimension_numbers<[1], [0], [0], [1], [0, 0, 1, 1], [], []>, transpose_lhs_hint = false} : vector<64x4096xbf16>, vector<4096x128xbf16>, vector<64x128xf32> -> vector<64x128xf32>
    %add3A_27 = arith.addf %add3A, %dot_general3A_26 : vector<64x128xf32>
    %scan3A = arith.constant false
    %scan3A_28 = arith.constant 0 : i32
    %scan3A_29 = arith.constant 10 : i32
    %scan3A_30 = arith.addi %scan3A_28, %scan3A_29 : i32
    %scan3A_31 = arith.constant 1 : i32
    %scan3A_32:2 = scf.for %scan3A_122 = %scan3A_28 to %scan3A_30 step %scan3A_31 iter_args(%scan3A_123 = %add3A_27, %scan3A_124 = %scan3A) -> (vector<64x128xf32>, i1)  : i32 {
      %mul3A_125 = arith.mulf %scan3A_123, %scan3A_123 : vector<64x128xf32>
      %reduce_sum3A_126 = arith.constant dense<0.000000e+00> : vector<64xf32>
      %reduce_sum3A_127 = vector.multi_reduction <add>, %mul3A_125, %reduce_sum3A_126 [1] : vector<64x128xf32> to vector<64xf32>
      %broadcast_in_dim3A_128 = vector.shape_cast %reduce_sum3A_127 : vector<64xf32> to vector<64x1xf32>
      %sqrt3A_129 = math.sqrt %broadcast_in_dim3A_128 : vector<64x1xf32>
      %max3A_130 = arith.constant 9.99999996E-13 : f32
      %max3A_131 = vector.broadcast %max3A_130 : f32 to vector<64x1xf32>
      %max3A_132 = arith.maximumf %sqrt3A_129, %max3A_131 : vector<64x1xf32>
      %div3A_133 = vector.broadcast %max3A_132 : vector<64x1xf32> to vector<64x128xf32>
      %div3A_134 = arith.divf %scan3A_123, %div3A_133 : vector<64x128xf32>
      %convert_element_type3A_135 = arith.truncf %div3A_134 : vector<64x128xf32> to vector<64x128xbf16>
      %dot_general3A_136 = arith.constant dense<0.000000e+00> : vector<64x4096xf32>
      %dot_general3A_137 = tpu.matmul %convert_element_type3A_135, %convert_element_type3A, %dot_general3A_136 {dimension_numbers = #tpu.dot_dimension_numbers<[1], [1], [0], [0], [0, 0, 1, 0], [], []>, transpose_lhs_hint = false} : vector<64x128xbf16>, vector<4096x128xbf16>, vector<64x4096xf32> -> vector<64x4096xf32>
      %reduce_max3A_138 = arith.constant dense<0xFF800000> : vector<4096xf32>
      %reduce_max3A_139 = vector.multi_reduction <maximumf>, %dot_general3A_137, %reduce_max3A_138 [0] : vector<64x4096xf32> to vector<4096xf32>
      %broadcast_in_dim3A_140 = vector.shape_cast %reduce_max3A_139 : vector<4096xf32> to vector<1x4096xf32>
      %eq3A_141 = vector.broadcast %broadcast_in_dim3A_140 : vector<1x4096xf32> to vector<64x4096xf32>
      %eq3A_142 = arith.cmpf oeq, %dot_general3A_137, %eq3A_141 : vector<64x4096xf32>
      %jit3A_143 = arith.constant 64 : i32
      %broadcast_in_dim3A_144 = vector.broadcast %jit3A_143 : i32 to vector<64x4096xi32>
      %select_n3A_145 = arith.select %eq3A_142, %iota3A, %broadcast_in_dim3A_144 : vector<64x4096xi1>, vector<64x4096xi32>
      %reduce_min3A_146 = arith.constant dense<2147483647> : vector<4096xi32>
      %reduce_min3A_147 = vector.multi_reduction <minsi>, %select_n3A_145, %reduce_min3A_146 [0] : vector<64x4096xi32> to vector<4096xi32>
      %broadcast_in_dim3A_148 = vector.shape_cast %reduce_min3A_147 : vector<4096xi32> to vector<1x4096xi32>
      %eq3A_149 = vector.broadcast %broadcast_in_dim3A_148 : vector<1x4096xi32> to vector<64x4096xi32>
      %eq3A_150 = arith.cmpi eq, %iota3A, %eq3A_149 : vector<64x4096xi32>
      %convert_element_type3A_151 = arith.extui %eq3A_150 : vector<64x4096xi1> to vector<64x4096xi32>
      %convert_element_type3A_152 = arith.sitofp %convert_element_type3A_151 : vector<64x4096xi32> to vector<64x4096xf32>
      %convert_element_type3A_153 = arith.truncf %convert_element_type3A_152 : vector<64x4096xf32> to vector<64x4096xbf16>
      %dot_general3A_154 = arith.constant dense<0.000000e+00> : vector<64x128xf32>
      %dot_general3A_155 = tpu.matmul %convert_element_type3A_153, %convert_element_type3A_6, %dot_general3A_154 {dimension_numbers = #tpu.dot_dimension_numbers<[1], [0], [0], [1], [0, 0, 1, 1], [], []>, transpose_lhs_hint = false} : vector<64x4096xbf16>, vector<4096x128xbf16>, vector<64x128xf32> -> vector<64x128xf32>
      %dot_general3A_156 = arith.constant dense<0.000000e+00> : vector<64x128xf32>
      %dot_general3A_157 = tpu.matmul %convert_element_type3A_153, %convert_element_type3A_8, %dot_general3A_156 {dimension_numbers = #tpu.dot_dimension_numbers<[1], [0], [0], [1], [0, 0, 1, 1], [], []>, transpose_lhs_hint = false} : vector<64x4096xbf16>, vector<4096x128xbf16>, vector<64x128xf32> -> vector<64x128xf32>
      %add3A_158 = arith.addf %dot_general3A_155, %dot_general3A_157 : vector<64x128xf32>
      %dot_general3A_159 = arith.constant dense<0.000000e+00> : vector<64x128xf32>
      %dot_general3A_160 = tpu.matmul %convert_element_type3A_153, %convert_element_type3A_11, %dot_general3A_159 {dimension_numbers = #tpu.dot_dimension_numbers<[1], [0], [0], [1], [0, 0, 1, 1], [], []>, transpose_lhs_hint = false} : vector<64x4096xbf16>, vector<4096x128xbf16>, vector<64x128xf32> -> vector<64x128xf32>
      %add3A_161 = arith.addf %add3A_158, %dot_general3A_160 : vector<64x128xf32>
      %dot_general3A_162 = arith.constant dense<0.000000e+00> : vector<64x128xf32>
      %dot_general3A_163 = tpu.matmul %convert_element_type3A_153, %broadcast_in_dim3A_13, %dot_general3A_162 {dimension_numbers = #tpu.dot_dimension_numbers<[1], [0], [0], [1], [0, 0, 1, 1], [], []>, transpose_lhs_hint = false} : vector<64x4096xbf16>, vector<4096x128xbf16>, vector<64x128xf32> -> vector<64x128xf32>
      %slice3A = vector.extract_strided_slice %dot_general3A_163 {offsets = [0, 0], sizes = [64, 1], strides = [1, 1]} : vector<64x128xf32> to vector<64x1xf32>
      %max3A_164 = arith.constant 1.000000e+00 : f32
      %max3A_165 = vector.broadcast %max3A_164 : f32 to vector<64x1xf32>
      %max3A_166 = arith.maximumf %slice3A, %max3A_165 : vector<64x1xf32>
      %div3A_167 = vector.broadcast %max3A_166 : vector<64x1xf32> to vector<64x128xf32>
      %div3A_168 = arith.divf %add3A_161, %div3A_167 : vector<64x128xf32>
      %gt3A = arith.constant 0.000000e+00 : f32
      %gt3A_169 = vector.broadcast %gt3A : f32 to vector<64x1xf32>
      %gt3A_170 = arith.cmpf ogt, %slice3A, %gt3A_169 : vector<64x1xf32>
      %broadcast_in_dim3A_171 = vector.shape_cast %gt3A_170 : vector<64x1xi1> to vector<64x1xi1>
      %broadcast_in_dim3A_172 = vector.broadcast %broadcast_in_dim3A_171 : vector<64x1xi1> to vector<64x128xi1>
      %select_n3A_173 = arith.select %broadcast_in_dim3A_172, %div3A_168, %scan3A_123 : vector<64x128xi1>, vector<64x128xf32>
      %mul3A_174 = arith.constant 1.000000e-01 : f32
      %mul3A_175 = vector.broadcast %mul3A_174 : f32 to vector<64x128xf32>
      %mul3A_176 = arith.mulf %mul3A_175, %scan3A_123 : vector<64x128xf32>
      %mul3A_177 = arith.constant 0.899999976 : f32
      %mul3A_178 = vector.broadcast %mul3A_177 : f32 to vector<64x128xf32>
      %mul3A_179 = arith.mulf %mul3A_178, %select_n3A_173 : vector<64x128xf32>
      %add3A_180 = arith.addf %mul3A_176, %mul3A_179 : vector<64x128xf32>
      %sub3A_181 = arith.subf %scan3A_123, %add3A_180 : vector<64x128xf32>
      %mul3A_182 = arith.mulf %sub3A_181, %sub3A_181 : vector<64x128xf32>
      %reduce_sum3A_183 = arith.constant dense<0.000000e+00> : vector<64xf32>
      %reduce_sum3A_184 = vector.multi_reduction <add>, %mul3A_182, %reduce_sum3A_183 [1] : vector<64x128xf32> to vector<64xf32>
      %sqrt3A_185 = math.sqrt %reduce_sum3A_184 : vector<64xf32>
      %lt3A = arith.constant 9.99999974E-5 : f32
      %lt3A_186 = vector.broadcast %lt3A : f32 to vector<64xf32>
      %lt3A_187 = arith.cmpf olt, %sqrt3A_185, %lt3A_186 : vector<64xf32>
      %reduce_and3A = arith.constant 1.000000e+00 : f32
      %reduce_and3A_188 = arith.constant 0.000000e+00 : f32
      %reduce_and3A_189 = vector.broadcast %reduce_and3A : f32 to vector<64xf32>
      %reduce_and3A_190 = vector.broadcast %reduce_and3A_188 : f32 to vector<64xf32>
      %reduce_and3A_191 = arith.select %lt3A_187, %reduce_and3A_189, %reduce_and3A_190 : vector<64xi1>, vector<64xf32>
      %reduce_and3A_192 = vector.shape_cast %reduce_and3A_191 : vector<64xf32> to vector<1x64xf32>
      %reduce_and3A_193 = arith.constant dense<0x7F800000> : vector<1xf32>
      %reduce_and3A_194 = vector.multi_reduction <minimumf>, %reduce_and3A_192, %reduce_and3A_193 [1] : vector<1x64xf32> to vector<1xf32>
      %reduce_and3A_195 = vector.shape_cast %reduce_and3A_194 : vector<1xf32> to vector<1x1xf32>
      %reduce_and3A_196 = vector.extract %reduce_and3A_195[0, 0] : f32 from vector<1x1xf32>
      %reduce_and3A_197 = arith.constant 0.000000e+00 : f32
      %reduce_and3A_198 = arith.cmpf ogt, %reduce_and3A_196, %reduce_and3A_197 : f32
      %or3A = arith.ori %scan3A_124, %reduce_and3A_198 : i1
      %select_n3A_199 = arith.select %or3A, %scan3A_123, %add3A_180 : vector<64x128xf32>
      %or3A_200 = arith.ori %scan3A_124, %reduce_and3A_198 : i1
      scf.yield %select_n3A_199, %or3A_200 : vector<64x128xf32>, i1
    }
    %swap3A = arith.constant 0 : index
    %swap3A_33 = arith.constant 0 : index
    %swap3A_34 = vector.load %arg2[%swap3A, %swap3A_33] : memref<64x128xf32, #tpu.memory_space<vmem>>, vector<64x128xf32>
    tpu.vector_store %arg2[%swap3A, %swap3A_33], %scan3A_32#0 {strides = array<i32>} : memref<64x128xf32, #tpu.memory_space<vmem>>, vector<64x128xf32>,
    %mul3A_35 = arith.mulf %scan3A_32#0, %scan3A_32#0 : vector<64x128xf32>
    %reduce_sum3A_36 = arith.constant dense<0.000000e+00> : vector<64xf32>
    %reduce_sum3A_37 = vector.multi_reduction <add>, %mul3A_35, %reduce_sum3A_36 [1] : vector<64x128xf32> to vector<64xf32>
    %broadcast_in_dim3A_38 = vector.shape_cast %reduce_sum3A_37 : vector<64xf32> to vector<64x1xf32>
    %sqrt3A_39 = math.sqrt %broadcast_in_dim3A_38 : vector<64x1xf32>
    %max3A_40 = arith.constant 9.99999996E-13 : f32
    %max3A_41 = vector.broadcast %max3A_40 : f32 to vector<64x1xf32>
    %max3A_42 = arith.maximumf %sqrt3A_39, %max3A_41 : vector<64x1xf32>
    %div3A_43 = vector.broadcast %max3A_42 : vector<64x1xf32> to vector<64x128xf32>
    %div3A_44 = arith.divf %scan3A_32#0, %div3A_43 : vector<64x128xf32>
    %convert_element_type3A_45 = arith.truncf %div3A_44 : vector<64x128xf32> to vector<64x128xbf16>
    %dot_general3A_46 = arith.constant dense<0.000000e+00> : vector<64x4096xf32>
    %dot_general3A_47 = tpu.matmul %convert_element_type3A_45, %convert_element_type3A, %dot_general3A_46 {dimension_numbers = #tpu.dot_dimension_numbers<[1], [1], [0], [0], [0, 0, 1, 0], [], []>, transpose_lhs_hint = false} : vector<64x128xbf16>, vector<4096x128xbf16>, vector<64x4096xf32> -> vector<64x4096xf32>
    %reduce_max3A = arith.constant dense<0xFF800000> : vector<4096xf32>
    %reduce_max3A_48 = vector.multi_reduction <maximumf>, %dot_general3A_47, %reduce_max3A [0] : vector<64x4096xf32> to vector<4096xf32>
    %broadcast_in_dim3A_49 = vector.shape_cast %reduce_max3A_48 : vector<4096xf32> to vector<1x4096xf32>
    %eq3A_50 = vector.broadcast %broadcast_in_dim3A_49 : vector<1x4096xf32> to vector<64x4096xf32>
    %eq3A_51 = arith.cmpf oeq, %dot_general3A_47, %eq3A_50 : vector<64x4096xf32>
    %jit3A = arith.constant 64 : i32
    %broadcast_in_dim3A_52 = vector.broadcast %jit3A : i32 to vector<64x4096xi32>
    %select_n3A = arith.select %eq3A_51, %iota3A, %broadcast_in_dim3A_52 : vector<64x4096xi1>, vector<64x4096xi32>
    %reduce_min3A = arith.constant dense<2147483647> : vector<4096xi32>
    %reduce_min3A_53 = vector.multi_reduction <minsi>, %select_n3A, %reduce_min3A [0] : vector<64x4096xi32> to vector<4096xi32>
    %broadcast_in_dim3A_54 = vector.shape_cast %reduce_min3A_53 : vector<4096xi32> to vector<1x4096xi32>
    %eq3A_55 = vector.broadcast %broadcast_in_dim3A_54 : vector<1x4096xi32> to vector<64x4096xi32>
    %eq3A_56 = arith.cmpi eq, %iota3A, %eq3A_55 : vector<64x4096xi32>
    %jit3A_57 = arith.constant 0xFF800000 : f32
    %broadcast_in_dim3A_58 = vector.broadcast %jit3A_57 : f32 to vector<64x4096xf32>
    %select_n3A_59 = arith.select %eq3A_56, %broadcast_in_dim3A_58, %dot_general3A_47 : vector<64x4096xi1>, vector<64x4096xf32>
    %reduce_max3A_60 = arith.constant dense<0xFF800000> : vector<4096xf32>
    %reduce_max3A_61 = vector.multi_reduction <maximumf>, %select_n3A_59, %reduce_max3A_60 [0] : vector<64x4096xf32> to vector<4096xf32>
    %broadcast_in_dim3A_62 = vector.shape_cast %reduce_max3A_61 : vector<4096xf32> to vector<1x4096xf32>
    %eq3A_63 = vector.broadcast %broadcast_in_dim3A_62 : vector<1x4096xf32> to vector<64x4096xf32>
    %eq3A_64 = arith.cmpf oeq, %select_n3A_59, %eq3A_63 : vector<64x4096xf32>
    %jit3A_65 = arith.constant 64 : i32
    %broadcast_in_dim3A_66 = vector.broadcast %jit3A_65 : i32 to vector<64x4096xi32>
    %select_n3A_67 = arith.select %eq3A_64, %iota3A, %broadcast_in_dim3A_66 : vector<64x4096xi1>, vector<64x4096xi32>
    %reduce_min3A_68 = arith.constant dense<2147483647> : vector<4096xi32>
    %reduce_min3A_69 = vector.multi_reduction <minsi>, %select_n3A_67, %reduce_min3A_68 [0] : vector<64x4096xi32> to vector<4096xi32>
    %broadcast_in_dim3A_70 = vector.shape_cast %reduce_min3A_69 : vector<4096xi32> to vector<1x4096xi32>
    %eq3A_71 = vector.broadcast %broadcast_in_dim3A_70 : vector<1x4096xi32> to vector<64x4096xi32>
    %eq3A_72 = arith.cmpi eq, %iota3A, %eq3A_71 : vector<64x4096xi32>
    %convert_element_type3A_73 = arith.extui %eq3A_72 : vector<64x4096xi1> to vector<64x4096xi32>
    %convert_element_type3A_74 = arith.sitofp %convert_element_type3A_73 : vector<64x4096xi32> to vector<64x4096xf32>
    %reduce_max3A_75 = arith.constant dense<0xFF800000> : vector<64xf32>
    %reduce_max3A_76 = vector.multi_reduction <maximumf>, %dot_general3A_47, %reduce_max3A_75 [1] : vector<64x4096xf32> to vector<64xf32>
    %broadcast_in_dim3A_77 = vector.shape_cast %reduce_max3A_76 : vector<64xf32> to vector<64x1xf32>
    %eq3A_78 = vector.broadcast %broadcast_in_dim3A_77 : vector<64x1xf32> to vector<64x4096xf32>
    %eq3A_79 = arith.cmpf oeq, %dot_general3A_47, %eq3A_78 : vector<64x4096xf32>
    %jit3A_80 = arith.constant 4096 : i32
    %broadcast_in_dim3A_81 = vector.broadcast %jit3A_80 : i32 to vector<64x4096xi32>
    %select_n3A_82 = arith.select %eq3A_79, %iota3A_14, %broadcast_in_dim3A_81 : vector<64x4096xi1>, vector<64x4096xi32>
    %reduce_min3A_83 = arith.constant dense<2147483647> : vector<64xi32>
    %reduce_min3A_84 = vector.multi_reduction <minsi>, %select_n3A_82, %reduce_min3A_83 [1] : vector<64x4096xi32> to vector<64xi32>
    %broadcast_in_dim3A_85 = vector.shape_cast %reduce_min3A_84 : vector<64xi32> to vector<64x1xi32>
    %eq3A_86 = vector.broadcast %broadcast_in_dim3A_85 : vector<64x1xi32> to vector<64x4096xi32>
    %eq3A_87 = arith.cmpi eq, %iota3A_14, %eq3A_86 : vector<64x4096xi32>
    %jit3A_88 = arith.constant 0xFF800000 : f32
    %broadcast_in_dim3A_89 = vector.broadcast %jit3A_88 : f32 to vector<64x4096xf32>
    %select_n3A_90 = arith.select %eq3A_87, %broadcast_in_dim3A_89, %dot_general3A_47 : vector<64x4096xi1>, vector<64x4096xf32>
    %reduce_max3A_91 = arith.constant dense<0xFF800000> : vector<64xf32>
    %reduce_max3A_92 = vector.multi_reduction <maximumf>, %select_n3A_90, %reduce_max3A_91 [1] : vector<64x4096xf32> to vector<64xf32>
    %broadcast_in_dim3A_93 = vector.shape_cast %reduce_max3A_92 : vector<64xf32> to vector<64x1xf32>
    %eq3A_94 = vector.broadcast %broadcast_in_dim3A_93 : vector<64x1xf32> to vector<64x4096xf32>
    %eq3A_95 = arith.cmpf oeq, %select_n3A_90, %eq3A_94 : vector<64x4096xf32>
    %jit3A_96 = arith.constant 4096 : i32
    %broadcast_in_dim3A_97 = vector.broadcast %jit3A_96 : i32 to vector<64x4096xi32>
    %select_n3A_98 = arith.select %eq3A_95, %iota3A_14, %broadcast_in_dim3A_97 : vector<64x4096xi1>, vector<64x4096xi32>
    %reduce_min3A_99 = arith.constant dense<2147483647> : vector<64xi32>
    %reduce_min3A_100 = vector.multi_reduction <minsi>, %select_n3A_98, %reduce_min3A_99 [1] : vector<64x4096xi32> to vector<64xi32>
    %broadcast_in_dim3A_101 = vector.shape_cast %reduce_min3A_100 : vector<64xi32> to vector<64x1xi32>
    %convert_element_type3A_102 = arith.sitofp %broadcast_in_dim3A_85 : vector<64x1xi32> to vector<64x1xf32>
    %mul3A_103 = vector.broadcast %convert_element_type3A_102 : vector<64x1xf32> to vector<64x4096xf32>
    %mul3A_104 = arith.mulf %convert_element_type3A_74, %mul3A_103 : vector<64x4096xf32>
    %reduce_sum3A_105 = arith.constant dense<0.000000e+00> : vector<4096xf32>
    %reduce_sum3A_106 = vector.multi_reduction <add>, %mul3A_104, %reduce_sum3A_105 [0] : vector<64x4096xf32> to vector<4096xf32>
    %broadcast_in_dim3A_107 = vector.shape_cast %reduce_sum3A_106 : vector<4096xf32> to vector<1x4096xf32>
    %convert_element_type3A_108 = arith.sitofp %broadcast_in_dim3A_101 : vector<64x1xi32> to vector<64x1xf32>
    %mul3A_109 = vector.broadcast %convert_element_type3A_108 : vector<64x1xf32> to vector<64x4096xf32>
    %mul3A_110 = arith.mulf %convert_element_type3A_74, %mul3A_109 : vector<64x4096xf32>
    %reduce_sum3A_111 = arith.constant dense<0.000000e+00> : vector<4096xf32>
    %reduce_sum3A_112 = vector.multi_reduction <add>, %mul3A_110, %reduce_sum3A_111 [0] : vector<64x4096xf32> to vector<4096xf32>
    %broadcast_in_dim3A_113 = vector.shape_cast %reduce_sum3A_112 : vector<4096xf32> to vector<1x4096xf32>
    %convert_element_type3A_114 = arith.fptosi %broadcast_in_dim3A_107 : vector<1x4096xf32> to vector<1x4096xi32>
    %convert_element_type3A_115 = arith.fptosi %broadcast_in_dim3A_113 : vector<1x4096xf32> to vector<1x4096xi32>
    %iota3A_116 = tpu.iota {dimensions = array<i32: 1>} : vector<1x4096xi32>
    %eq3A_117 = arith.cmpi eq, %convert_element_type3A_114, %iota3A_116 : vector<1x4096xi32>
    %select_n3A_118 = arith.select %eq3A_117, %convert_element_type3A_115, %convert_element_type3A_114 : vector<1x4096xi1>, vector<1x4096xi32>
    %swap3A_119 = arith.constant 0 : index
    %swap3A_120 = arith.constant 0 : index
    %swap3A_121 = vector.load %arg3[%swap3A_119, %swap3A_120] : memref<1x4096xi32, #tpu.memory_space<vmem>>, vector<1x4096xi32>
    tpu.vector_store %arg3[%swap3A_119, %swap3A_120], %select_n3A_118 {strides = array<i32>} : memref<1x4096xi32, #tpu.memory_space<vmem>>, vector<1x4096xi32>,
    return
  }
}

</mosaic_0001>

<sc_bundles>
// kernel: kernel.4.cloned.1.call-start
scs
__scs_entry_jumppad:
0x0: {  	(pc) =	sbr.rel $0x88, $3  }
0x1: {  	(tag) =	ssettag $0x0;
	lr =	simm.s32 $0x1  }
0x2: {  	[smem:$0x3FA0] =	sst lr;
	_ =	strace $0xD0000000  }
0x3: {  	_ = 	snop  }
0x4: {  	_ = 	snop  }
0x5: {  	_ = 	snop  }
0x6: {  	_ = 	snop  }
0x7: {  	_ = 	snop  }
__scs_overlays_trampoline_lowered:
0x8: {  	[smem:$0x3FAF] =	sst s0  }
0x9: {  	[smem:$0x3FB0] =	sst s1  }
0xa: {  	[smem:$0x3FB1] =	sst s2  }
0xb: {  	[smem:$0x3FB2] =	sst s3  }
0xc: {  	[smem:$0x3FB3] =	sst s4  }
0xd: {  	[smem:$0x3FB4] =	sst s5  }
0xe: {  	[smem:$0x3FB5] =	sst s6  }
0xf: {  	[smem:$0x3FB6] =	sst s7  }
0x10: {  	[smem:$0x3FB7] =	sst s8  }
0x11: {  	[smem:$0x3FB8] =	sst s9;
	s0 =	simm.s32 @!p0 $0x0  }
0x12: {  	s1 =	sld [smem:$0x3F9E];
	s0 =	simm.s32 @p0 $0x1  }
0x13: {  	[smem:$0x3FB9] =	sst s0;
	s0 =	simm.s32 @!p1 $0x0  }
0x14: {  	s2 =	sld [smem:$0x3F9D];
	s0 =	simm.s32 @p1 $0x1  }
0x15: {  	[smem:$0x3FBA] =	sst s0;
	s0 =	simm.s32 @!p2 $0x0  }
0x16: {  	s3 =	sld [smem:$0x3FDB];
	s0 =	simm.s32 @p2 $0x1  }
0x17: {  	s4 =	simm.s32 $0x1BF5;
	[smem:$0x3FBC] =	sst s0  }
0x18: {  	s0 =	sld [smem:$0x3F9F];
	_ =	swait.ge [sflag:s4], $0x0  }
0x19: {  	s7 =	sld [smem:$0x3FA0]  }
0x1a: {  	s8 =	sadd.s32 $0xFFFFE003, lr  }
0x1b: {  	s9 =	sadd.s32 $0xFFFFFEF7, lr;
	s5 =	simm.s32 $0xFFFFFFFF;
	p2 =	slt.u32 s8, $0xFFFFF086  }
0x1c: {  	p1 =	slt.u32 s9, $0xF7A;
	s5 =	simm.s32 @!p2 $0x0  }
0x1d: {  	s5 =	simm.s32 @p1 $0x1;
	p0 =	seq.s32 s7, s2  }
0x1e: {  	s7 =	smul.u32 @!p0 $0xF7A, s2;
	p2 =	seq.s32 @!p0 s5, $0x0  }
0x1f: {  	s9 =	smul.u32 $0xF7A, s1;
	s8 =	simm.s32 @!p0 $0x1BF5;
	p2 =	por !p2, p0  }
0x20: {  	[sflag:s8] =	ssyncset.s32 @!p0 $0xFFFFF086;
	s6 =	sadd.s32 @!p0 s3, s7;
	s7 =	simm.s32 @!p0 $0x108  }
0x21: {  	s3 =	sadd.s32 s3, s9;
	s6 =	sadd.s32 @!p0 $0x88, s6;
	s7 =	simm.s32 @p2 $0x1082  }
0x22: {  	[simem:s7], [sflag:s8] =	dma.local @!p0 [hbm:s6], $0xF7A  }
0x23: {  	s9 =	sor.u32 $0xD0000000, s2;
	s6 =	simm.s32 $0x108;
	_ =	swait.ge @!p0 [sflag:s8], $0x0  }
0x24: {  	s3 =	sadd.s32 $0x88, s3;
	s6 =	simm.s32 @!p1 $0x1082;
	[sflag:s4] =	ssyncset.s32 $0xFFFFF086  }
0x25: {  	[simem:s6], [sflag:s4] =	dma.local [hbm:s3], $0xF7A  }
0x26: {  	[smem:$0x3FA0] =	sst s1;
	(tag) =	ssettag s2;
	_ =	strace s9  }
0x27: {  	s1 =	sld [smem:$0x3FB0]  }
0x28: {  	s2 =	sld [smem:$0x3FB1]  }
0x29: {  	s4 =	sld [smem:$0x3FB3]  }
0x2a: {  	p0 =	seq.s32 s5, $0x0;
	s5 =	sld [smem:$0x3FB4]  }
0x2b: {  	s6 =	sld [smem:$0x3FB5]  }
0x2c: {  	s7 =	sld [smem:$0x3FB6]  }
0x2d: {  	s3 =	simm.s32 $0x108;
	s8 =	sld [smem:$0x3FB7]  }
0x2e: {  	s3 =	simm.s32 @!p0 $0x1082;
	s9 =	sld [smem:$0x3FB8]  }
0x2f: {  	lr =	sadd.s32 s0, s3;
	s0 =	sld [smem:$0x3FAF]  }
0x30: {  	s3 =	sld [smem:$0x3FB2]  }
0x31: {  	[smem:$0x3FBB] =	sst s10  }
0x32: {  	s10 =	sld [smem:$0x3FB9];
	_ =	sdelay $0x3  }
0x33: {  	p0 =	seq.s32 s10, $0x1;
	s10 =	sld [smem:$0x3FBB];
	_ =	sdelay $0x3  }
0x34: {  	[smem:$0x3FBB] =	sst s10  }
0x35: {  	s10 =	sld [smem:$0x3FBA];
	_ =	sdelay $0x3  }
0x36: {  	p1 =	seq.s32 s10, $0x1;
	s10 =	sld [smem:$0x3FBB];
	_ =	sdelay $0x3  }
0x37: {  	[smem:$0x3FBB] =	sst s10  }
0x38: {  	s10 =	sld [smem:$0x3FBC]  }
0x39: {  	_ = 	snop;
	(pc) =	sbr.ind lr, $3  }
0x3a: {  	_ = 	snop  }
0x3b: {  	_ = 	snop  }
0x3c: {  	p2 =	seq.s32 s10, $0x1;
	s10 =	sld [smem:$0x3FBB]  }
0x3d: {  	_ =	shalt  }
0x3e: {  	_ =	shalt  }
0x3f: {  	_ =	shalt  }
0x40: {  	_ =	shalt  }
0x41: {  	_ =	shalt  }
0x42: {  	_ =	shalt  }
0x43: {  	_ =	shalt  }
0x44: {  	_ =	shalt  }
0x45: {  	_ =	shalt  }
0x46: {  	_ =	shalt  }
0x47: {  	_ =	shalt  }
0x48: {  	_ =	shalt  }
0x49: {  	_ =	shalt  }
0x4a: {  	_ =	shalt  }
0x4b: {  	_ =	shalt  }
0x4c: {  	_ =	shalt  }
0x4d: {  	_ =	shalt  }
0x4e: {  	_ =	shalt  }
0x4f: {  	_ =	shalt  }
0x50: {  	_ =	shalt  }
0x51: {  	_ =	shalt  }
0x52: {  	_ =	shalt  }
0x53: {  	_ =	shalt  }
0x54: {  	_ =	shalt  }
0x55: {  	_ =	shalt  }
0x56: {  	_ =	shalt  }
0x57: {  	_ =	shalt  }
0x58: {  	_ =	shalt  }
0x59: {  	_ =	shalt  }
0x5a: {  	_ =	shalt  }
0x5b: {  	_ =	shalt  }
0x5c: {  	_ =	shalt  }
0x5d: {  	_ =	shalt  }
0x5e: {  	_ =	shalt  }
0x5f: {  	_ =	shalt  }
0x60: {  	_ =	shalt  }
0x61: {  	_ =	shalt  }
0x62: {  	_ =	shalt  }
0x63: {  	_ =	shalt  }
0x64: {  	_ =	shalt  }
0x65: {  	_ =	shalt  }
0x66: {  	_ =	shalt  }
0x67: {  	_ =	shalt  }
0x68: {  	_ =	shalt  }
0x69: {  	_ =	shalt  }
0x6a: {  	_ =	shalt  }
0x6b: {  	_ =	shalt  }
0x6c: {  	_ =	shalt  }
0x6d: {  	_ =	shalt  }
0x6e: {  	_ =	shalt  }
0x6f: {  	_ =	shalt  }
0x70: {  	_ =	shalt  }
0x71: {  	_ =	shalt  }
0x72: {  	_ =	shalt  }
0x73: {  	_ =	shalt  }
0x74: {  	_ =	shalt  }
0x75: {  	_ =	shalt  }
0x76: {  	_ =	shalt  }
0x77: {  	_ =	shalt  }
0x78: {  	_ =	shalt  }
0x79: {  	_ =	shalt  }
0x7a: {  	_ =	shalt  }
0x7b: {  	_ =	shalt  }
0x7c: {  	_ =	shalt  }
0x7d: {  	_ =	shalt  }
0x7e: {  	_ =	shalt  }
0x7f: {  	_ =	shalt  }
0x80: {  	_ =	shalt  }
0x81: {  	_ =	shalt  }
0x82: {  	_ =	shalt  }
0x83: {  	_ =	shalt  }
0x84: {  	_ =	shalt  }
0x85: {  	_ =	shalt  }
0x86: {  	_ =	shalt  }
0x87: {  	_ =	shalt  }
.Lfunc_end0:
.L_simem_size_0:
called_computation_lowered:
.L_overlay_start_0:
0x88: {  	s2 =	sld [smem:$0x3FD9]  }
0x89: {  	s3 =	sld [smem:$0x3FFE];
	_ =	sdelay $0x1  }
0x8a: {  	s1 =	srdreg.scid  }
0x8b: {  	s0 =	sand.u32 $0x1, s1  }
0x8c: {  	s14 =	sshll.u32 s0, $0xA;
	s2 =	sadd.s32 s3, s2  }
0x8d: {  	s2 =	sadd.s32 s2, s14  }
0x8e: {  	[smem:$0x3FC7] =	sst s2  }
0x8f: {  	_ = 	snop  }
0x90: {  	s2 =	sld [smem:$0x3FD0];
	_ =	sdelay $0x2  }
0x91: {  	s4 =	simm.s32 $0xA;
	s5 =	simm.s32 $0x10;
	s15 =	sld [smem:$0x3FC9]  }
0x92: {  	[smem:s5], [sflag:s4] =	dma.local [hbm:s2], $0x1  }
0x93: {  	_ =	swait.eq [sflag:s4], $0x1  }
0x94: {  	[sflag:s4] =	ssyncset.done $0x0  }
0x95: {  	[sflag:s4] =	ssyncadd.s32 $0xFFFFFFFF  }
0x96: {  	s16 =	sld [smem:$0x11];
	(tm) =	ssettm $0x1  }
0x97: {  	s17 =	sld [smem:$0x3FFB];
	_ =	sdelay $0x3  }
0x98: {  	_ =	strace s17  }
0x99: {  	s4 =	sld [smem:$0x3FFC];
	_ =	sdelay $0x3  }
0x9a: {  	_ =	strace s4  }
0x9b: {  	s4 =	sld [smem:$0x3FFD];
	_ =	sdelay $0x3  }
0x9c: {  	_ =	strace s4  }
0x9d: {  	_ =	strace $0x8FFFFFFF  }
0x9e: {  	s18 =	sld [smem:$0x3FDB];
	_ =	sdelay $0x1  }
0x9f: {  	s19 =	simm.s32 $_scs_section_size  }
0xa0: {  	s6 =	simm.s32 $_size__tile_overlayer_lowered;
	s7 =	simm.s32 $_tile_overlayer_lowered  }
0xa1: {  	s22 =	simm.s32 $0x1BFF;
	s21 =	sshll.u32 s7, $0x1;
	s4 =	sadd.s32 s19, s18  }
0xa2: {  	s8 =	simm.s32 $0x0;
	s20 =	sshll.u32 s6, $0x1;
	s6 =	sadd.s32 s21, s4  }
0xa3: {  	[timem:s8], [sflag:s22] =	dma.local [hbm:s6], s20  }
0xa4: {  	_ =	swait.ge [sflag:s22], s20  }
0xa5: {  	s5 =	ssub.s32 $0x0, s20;
	[sflag:s22] =	ssyncset.done $0x0  }
0xa6: {  	[sflag:s22] =	ssyncadd.s32 s5;
	_ =	sdelay $0x1  }
0xa7: {  	s23 =	simm.s32 $0x1B8B  }
0xa8: {  	_ =	swait.ge [sflag:s23], $0x1  }
0xa9: {  	[sflag:s23] =	ssyncset.done $0x0  }
0xaa: {  	s25 =	simm.s32 $0x1B8E;
	s24 =	sld [smem:$0x3FFE];
	[sflag:s23] =	ssyncadd.s32 $0xFFFFFFFF  }
0xab: {  	s26 =	simm.s32 $execute0_lowered;
	[smem:$0x3FD2] =	sst s25  }
0xac: {  	s6 =	sshll.u32 s26, $0x1;
	_ =	strace $0x80000046;
	[dreg:$0x1] =	wrdreg $0xFFFFFFFF  }
0xad: {  	s28 =	simm.s32 $_size_execute0_lowered;
	s4 =	sadd.s32 s4, s6;
	[dreg:$0x0] =	wrdreg $0x0  }
0xae: {  	s6 =	sshll.u32 s28, $0x1;
	[dreg:$0x2] =	wrdreg s4  }
0xaf: {  	[dreg:$0x3] =	wrdreg s6  }
0xb0: {  	[dreg:$0x4] =	wrdreg $0xC0  }
0xb1: {  	_ =	task [dreg:s8], $0x5FFFF  }
0xb2: {  	[dreg:$0x1] =	wrdreg $0xFFFFFFFF  }
0xb3: {  	[dreg:$0x0] =	wrdreg $0x60  }
0xb4: {  	[dreg:$0x2] =	wrdreg s15  }
0xb5: {  	[dreg:$0x3] =	wrdreg s24  }
0xb6: {  	[dreg:$0x4] =	wrdreg s16  }
0xb7: {  	[dreg:$0x5] =	wrdreg $0x9  }
0xb8: {  	_ =	task.clear_ibuf [dreg:s8], $0x6FFFF;
	_ =	strace $0x90000046  }
0xb9: {  	s29 =	simm.s32 $0x9;
	_ =	strace $0x80000048  }
0xba: {  	_ =	swait.ge [sflag:s29], $0x1  }
0xbb: {  	[sflag:s29] =	ssyncadd.s32 $0xFFFFFFFF  }
0xbc: {  	_ =	strace $0x90000048  }
0xbd: {  	_ =	sfence  }
0xbe: {  	s30 =	sld [smem:$0x0];
	_ =	sdelay $0x2  }
0xbf: {  	s31 =	sshll.u32 s1, $0xD;
	s1 =	sshrl.u32 s1, $0x2  }
0xc0: {  	s3 =	sand.u32 $0x4000, s31;
	s1 =	sadd.s32 s1, s30  }
0xc1: {  	s0 =	sor.u32 s3, s0;
	s1 =	sshll.u32 s1, $0x11  }
0xc2: {  	s0 =	sor.u32 s1, s0  }
0xc3: {  	s0 =	sadd.s32 $0x8F2B, s0  }
0xc4: {  	[sflag:s0] =	ssyncadd.remote.s32 $0x1  }
0xc5: {  	_ =	sfence.sel $0xFFFF  }
0xc6: {  	[dreg:$0x0] =	wrdreg $0xFFFFFFFF;
	(pc) =	sbr.abs _section_cstart, $3  }
0xc7: {  	[dreg:$0x1] =	wrdreg $0xFFFFFFFF  }
0xc8: {  	_ =	task.clear_ibuf [dreg:s8], $0x2FFFF;
	_ =	strace $0x9FFFFFFF  }
0xc9: {  	(tm) =	ssettm $0x7FFFFFFF  }
tec
execute0_lowered:
.L_overlay_start_1:
0x0: {  	(tag) =	ssettag $0x1  }
0x1: {  	s2 =	srdreg.scid  }
0x2: {  	s1 =	rddreg [dreg:$0x0];
	s0 =	stileid.u32;
	s23 =	sand.u32 $0x1, s2  }
0x3: {  	s4 =	rddreg [dreg:$0x1];
	s31 =	sshll.u32 s0, $0x8;
	s3 =	sshll.u32 s23, $0x7  }
0x4: {  	s14 =	rddreg [dreg:$0x2];
	s15 =	sor.u32 s3, s31  }
0x5: {  	s2 =	rddreg [dreg:$0x3];
	s3 =	simm.s32 $0x0;
	s5 =	sshrl.u32 s15, $0x3  }
0x6: {  	[smem:$0x7FF] =	sst s3;
	s4 =	sadd.s32 s5, s4  }
0x7: {  	_ =	strace $0x80000047;
	s5 =	simm.s32 $0x9;
	s4 =	sadd.s32 $0xC00, s4  }
0x8: {  	[tilespmem:s3], [sflag:$0x9] =	stream.linear.gather [hbm4b:s4+s3], $0x80, $0x38;
	[tilespmem:$0x4080] =	vst v63  }
0x9: {  	_ =	swait.ge [sflag:s5], $0x80  }
0xa: {  	[sflag:s5] =	ssyncset.done $0x0  }
0xb: {  	s6 =	simm.s32 $0x20;
	s7 =	simm.s32 $0x80;
	[sflag:s5] =	ssyncadd.s32 $0xFFFFFF80  }
0xc: {  	[tilespmem:s7], [sflag:$0x1] =	stream.indirect.gather [hbm4b:s1+s6], $0x80, s3, s6, $0xb8;
	[tilespmem:$0x4080] =	vst v63  }
0xd: {  	s8 =	simm.s32 $0x1080  }
0xe: {  	[tilespmem:s8], [sflag:$0x2] =	stream.indirect.gather [hbm4b:s1+s6], $0x80, s6, s6, $0xb8;
	[tilespmem:$0x4080] =	vst v63  }
0xf: {  	s9 =	simm.s32 $0x40;
	s10 =	simm.s32 $0x2080  }
0x10: {  	[tilespmem:s10], [sflag:$0x3] =	stream.indirect.gather [hbm4b:s1+s6], $0x80, s9, s6, $0xb8;
	[tilespmem:$0x4080] =	vst v63  }
0x11: {  	s11 =	simm.s32 $0x60;
	s12 =	simm.s32 $0x3080;
	s13 =	simm.s32 $0x1  }
0x12: {  	[tilespmem:s12], [sflag:$0x4] =	stream.indirect.gather [hbm4b:s1+s6], $0x80, s11, s6, $0xb8;
	[tilespmem:$0x4080] =	vst v63  }
0x13: {  	_ =	swait.ge [sflag:s13], $0x1000  }
0x14: {  	s15 =	sshll.u32 s15, $0x4;
	[sflag:s13] =	ssyncset.done $0x0  }
0x15: {  	s14 =	sadd.s32 s14, s15;
	s15 =	simm.s32 $0x2;
	[sflag:s13] =	ssyncadd.s32 $0xFFFFF000  }
0x16: {  	[hbm4b:s14+s3] =	stream.linear.scatter [tilespmem:s7], [sflag:$0x5], $0x1000, $0x38;
	[tilespmem:$0x4080] =	vst v63  }
0x17: {  	_ =	swait.ge [sflag:s15], $0x1000  }
0x18: {  	[sflag:s15] =	ssyncset.done $0x0  }
0x19: {  	s17 =	simm.s32 $0x3;
	s16 =	sadd.s32 $0x200, s14;
	[sflag:s15] =	ssyncadd.s32 $0xFFFFF000  }
0x1a: {  	[hbm4b:s16+s3] =	stream.linear.scatter [tilespmem:s8], [sflag:$0x6], $0x1000, $0x38;
	[tilespmem:$0x4080] =	vst v63  }
0x1b: {  	_ =	swait.ge [sflag:s17], $0x1000  }
0x1c: {  	[sflag:s17] =	ssyncset.done $0x0  }
0x1d: {  	s19 =	simm.s32 $0x4;
	s18 =	sadd.s32 $0x400, s14;
	[sflag:s17] =	ssyncadd.s32 $0xFFFFF000  }
0x1e: {  	[hbm4b:s18+s3] =	stream.linear.scatter [tilespmem:s10], [sflag:$0x7], $0x1000, $0x38;
	[tilespmem:$0x4080] =	vst v63  }
0x1f: {  	_ =	swait.ge [sflag:s19], $0x1000  }
0x20: {  	[sflag:s19] =	ssyncset.done $0x0  }
0x21: {  	s21 =	simm.s32 $0x5;
	s20 =	sadd.s32 $0x600, s14;
	[sflag:s19] =	ssyncadd.s32 $0xFFFFF000  }
0x22: {  	[hbm4b:s20+s3] =	stream.linear.scatter [tilespmem:s12], [sflag:$0x8], $0x1000, $0x38;
	[tilespmem:$0x4080] =	vst v63  }
0x23: {  	_ =	swait.ge [sflag:s21], $0x1000  }
0x24: {  	s24 =	ssub.s32 $0x2, s23;
	[sflag:s21] =	ssyncset.done $0x0  }
0x25: {  	s22 =	simm.s32 $0x6;
	s25 =	sshrl.u32 s24, $0x1;
	[sflag:s21] =	ssyncadd.s32 $0xFFFFF000  }
0x26: {  	s24 =	ssub.s32 s24, s25;
	_ =	swait.ge [sflag:s22], $0x1000  }
0x27: {  	s25 =	smax.u32 s24, $0x1;
	[sflag:s22] =	ssyncset.done $0x0  }
0x28: {  	s23 =	simm.s32 $0x7;
	p0 =	sne.s32 s25, $0x1;
	[sflag:s22] =	ssyncadd.s32 $0xFFFFF000  }
.Ltmp0:
0x29: {  	_ =	swait.ge [sflag:s23], $0x1000;
	(pc) =	sbr.rel @!p0 .LBB2_2-.Ltmp0, $4  }
0x2a: {  	[sflag:s23] =	ssyncset.done $0x0  }
0x2b: {  	s24 =	simm.s32 $0x8;
	[sflag:s23] =	ssyncadd.s32 $0xFFFFF000  }
0x2c: {  	_ =	swait.ge [sflag:s24], $0x1000  }
0x2d: {  	s25 =	sadd.s32 $0xFFFFFFFF, s25;
	[sflag:s24] =	ssyncset.done $0x0  }
.LBB2_1:
0x2e: {  	p0 =	sne.s32 s25, $0x1;
	s25 =	sadd.s32 $0xFFFFFFFF, s25;
	[sflag:s24] =	ssyncadd.s32 $0xFFFFF000  }
0x2f: {  	[tilespmem:s3], [sflag:$0x9] =	stream.linear.gather [hbm4b:s4+s3], $0x80, $0x38;
	[tilespmem:$0x4080] =	vst v63  }
0x30: {  	_ =	swait.ge [sflag:s5], $0x80  }
0x31: {  	[sflag:s5] =	ssyncset.done $0x0  }
0x32: {  	[sflag:s5] =	ssyncadd.s32 $0xFFFFFF80  }
0x33: {  	[tilespmem:s7], [sflag:$0x1] =	stream.indirect.gather [hbm4b:s1+s6], $0x80, s3, s6, $0xb8;
	[tilespmem:$0x4080] =	vst v63  }
0x34: {  	_ = 	snop  }
0x35: {  	[tilespmem:s8], [sflag:$0x2] =	stream.indirect.gather [hbm4b:s1+s6], $0x80, s6, s6, $0xb8;
	[tilespmem:$0x4080] =	vst v63  }
0x36: {  	_ = 	snop  }
0x37: {  	[tilespmem:s10], [sflag:$0x3] =	stream.indirect.gather [hbm4b:s1+s6], $0x80, s9, s6, $0xb8;
	[tilespmem:$0x4080] =	vst v63  }
0x38: {  	_ = 	snop  }
0x39: {  	[tilespmem:s12], [sflag:$0x4] =	stream.indirect.gather [hbm4b:s1+s6], $0x80, s11, s6, $0xb8;
	[tilespmem:$0x4080] =	vst v63  }
0x3a: {  	_ =	swait.ge [sflag:s13], $0x1000  }
0x3b: {  	[sflag:s13] =	ssyncset.done $0x0  }
0x3c: {  	[sflag:s13] =	ssyncadd.s32 $0xFFFFF000  }
0x3d: {  	[hbm4b:s14+s3] =	stream.linear.scatter [tilespmem:s7], [sflag:$0x5], $0x1000, $0x38;
	[tilespmem:$0x4080] =	vst v63  }
0x3e: {  	_ =	swait.ge [sflag:s15], $0x1000  }
0x3f: {  	[sflag:s15] =	ssyncset.done $0x0  }
0x40: {  	[sflag:s15] =	ssyncadd.s32 $0xFFFFF000  }
0x41: {  	[hbm4b:s16+s3] =	stream.linear.scatter [tilespmem:s8], [sflag:$0x6], $0x1000, $0x38;
	[tilespmem:$0x4080] =	vst v63  }
0x42: {  	_ =	swait.ge [sflag:s17], $0x1000  }
0x43: {  	[sflag:s17] =	ssyncset.done $0x0  }
0x44: {  	[sflag:s17] =	ssyncadd.s32 $0xFFFFF000  }
0x45: {  	[hbm4b:s18+s3] =	stream.linear.scatter [tilespmem:s10], [sflag:$0x7], $0x1000, $0x38;
	[tilespmem:$0x4080] =	vst v63  }
0x46: {  	_ =	swait.ge [sflag:s19], $0x1000  }
0x47: {  	[sflag:s19] =	ssyncset.done $0x0  }
0x48: {  	[sflag:s19] =	ssyncadd.s32 $0xFFFFF000  }
0x49: {  	[hbm4b:s20+s3] =	stream.linear.scatter [tilespmem:s12], [sflag:$0x8], $0x1000, $0x38;
	[tilespmem:$0x4080] =	vst v63  }
0x4a: {  	_ =	swait.ge [sflag:s21], $0x1000  }
0x4b: {  	[sflag:s21] =	ssyncset.done $0x0  }
0x4c: {  	[sflag:s21] =	ssyncadd.s32 $0xFFFFF000  }
0x4d: {  	_ =	swait.ge [sflag:s22], $0x1000  }
0x4e: {  	[sflag:s22] =	ssyncset.done $0x0  }
0x4f: {  	[sflag:s22] =	ssyncadd.s32 $0xFFFFF000  }
.Ltmp1:
0x50: {  	_ =	swait.ge [sflag:s23], $0x1000;
	(pc) =	sbr.rel @p0 .LBB2_1-.Ltmp1, $4  }
0x51: {  	[sflag:s23] =	ssyncset.done $0x0  }
0x52: {  	[sflag:s23] =	ssyncadd.s32 $0xFFFFF000  }
0x53: {  	_ =	swait.ge [sflag:s24], $0x1000  }
0x54: {  	[sflag:s24] =	ssyncset.done $0x0  }
.LBB2_2:
0x55: {  	[sflag:s24] =	ssyncadd.s32 $0xFFFFF000  }
0x56: {  	_ =	sfence.sel $0x180000  }
0x57: {  	[bflag:$0x0] =	sbarrier.arrive $0xFFFF  }
0x58: {  	p0 =	sne.s32 s0, $0x0;
	_ =	strace $0x90000047  }
0x59: {  	s0 =	sadd.s32 @!p0 $0x100000, s2;
	[bflag:$0x2] =	sbarrier.arrive $0xFFFF  }
0x5a: {  	[sflag:s0] =	ssyncadd.tile.s32 @!p0 $0x1;
	_ =	shalt  }
.Lfunc_end2:
_tile_overlayer_lowered:
.L_overlay_start_2:
0x5b: {  	(tag) =	ssettag $0x2  }
0x5c: {  	s0 =	rddreg [dreg:$0x0];
	s2 =	stileid.u32  }
0x5d: {  	s1 =	rddreg [dreg:$0x1];
	p0 =	sne.s32 s2, $0x0  }
0x5e: {  	s3 =	rddreg [dreg:$0x2];
	[bflag:$0x3] =	sbarrier.arrive $0xFFFF;
	s2 =	simm.s32 @!p0 $0x1C09  }
0x5f: {  	[timem:s3], [sflag:s2] =	dma.local @!p0 [hbm:s0], s1  }
0x60: {  	s0 =	simm.s32 @!p0 $0x9  }
0x61: {  	_ =	swait.ge @!p0 [sflag:s0], s1  }
0x62: {  	s1 =	ssub.s32 @!p0 $0x0, s1;
	[sflag:s0] =	ssyncset.done @!p0 $0x0  }
0x63: {  	[sflag:s0] =	ssyncadd.s32 @!p0 s1  }
0x64: {  	[bflag:$0x3] =	sbarrier.arrive $0xFFFF  }
0x65: {  	_ =	shalt  }

</sc_bundles>
